<compile_context>
chip_gen: v7x
topology: tpu7x:2x2x1
jax: 0.10.2.dev20260603
libtpu: 0.0.44.dev20260713+nightly
codegen_flags: <defaults>
</compile_context>

<pallas_src>
import functools

import jax
import jax.numpy as jnp
from jax import lax
from jax.experimental import pallas as pl
from jax.experimental.pallas import tpu as pltpu
from jax.experimental.pallas import tpu_sc as plsc

_VOCAB = 1000000
_L = 200
_B = 4096
_D = 64
_TOPICS = 50
_PAD_T = 128

_NC = 2
_NS = 16
_NW = _NC * _NS
_SPW = _B // _NW
_LANES = 16

_VB = 128
_NFULL = _VOCAB // _VB
_TAIL = _VOCAB - _NFULL * _VB
_NIT = 246
_PITCH = 72

_CH0 = 128
_CH1 = _L - _CH0


def _pool_body(idx_hbm, table_hbm, out_hbm, idx_v, buf0, buf1, sums_v, sem0, sem1):
    wid = lax.axis_index("s") * _NC + lax.axis_index("c")
    base = wid * _SPW
    pltpu.sync_copy(idx_hbm.at[pl.ds(base * _L, _SPW * _L)], idx_v)

    bufs = (buf0, buf1)
    sems = (sem0, sem1)

    def start_gather(s, which):
        buf = bufs[which]
        sem = sems[which]
        off = pl.multiple_of(s * _L, 8)
        c0 = pltpu.make_async_copy(
            table_hbm.at[idx_v.at[pl.ds(off, _CH0)]], buf.at[pl.ds(0, _CH0)], sem)
        c1 = pltpu.make_async_copy(
            table_hbm.at[idx_v.at[pl.ds(off + _CH0, _CH1)]], buf.at[pl.ds(_CH0, _CH1)], sem)
        c0.start()
        c1.start()

    def wait_gather(which):
        buf = bufs[which]
        sem = sems[which]
        pltpu.make_async_copy(
            table_hbm.at[idx_v.at[pl.ds(0, _CH0)]], buf.at[pl.ds(0, _CH0)], sem).wait()
        pltpu.make_async_copy(
            table_hbm.at[idx_v.at[pl.ds(0, _CH1)]], buf.at[pl.ds(_CH0, _CH1)], sem).wait()

    def accumulate(s, which):
        buf = bufs[which]

        def rbody(r, accs):
            return tuple(a + buf[r, pl.ds(c * _LANES, _LANES)]
                         for c, a in enumerate(accs))

        accs = lax.fori_loop(
            0, _L, rbody,
            tuple(jnp.zeros((_LANES,), jnp.float32) for _ in range(_D // _LANES)))
        for c, a in enumerate(accs):
            sums_v[s, pl.ds(c * _LANES, _LANES)] = a * (1.0 / _L)

    start_gather(0, 0)

    def pair_body(p, _):
        s0 = p * 2
        start_gather(s0 + 1, 1)
        wait_gather(0)
        accumulate(s0, 0)

        @pl.when(s0 + 2 < _SPW)
        def _():
            start_gather(s0 + 2, 0)

        wait_gather(1)
        accumulate(s0 + 1, 1)
        return 0

    lax.fori_loop(0, _SPW // 2, pair_body, 0)
    pltpu.sync_copy(sums_v, out_hbm.at[pl.ds(base, _SPW)])


@functools.cache
def _get_pool():
    return pl.kernel(
        _pool_body,
        out_type=jax.ShapeDtypeStruct((_B, _D), jnp.float32),
        mesh=plsc.VectorSubcoreMesh(core_axis_name="c", subcore_axis_name="s"),
        scratch_types=[
            pltpu.VMEM((_SPW * _L,), jnp.int32),
            pltpu.VMEM((_L, _D), jnp.float32),
            pltpu.VMEM((_L, _D), jnp.float32),
            pltpu.VMEM((_SPW, _D), jnp.float32),
            pltpu.SemaphoreType.DMA,
            pltpu.SemaphoreType.DMA,
        ],
        compiler_params=pltpu.CompilerParams(use_tc_tiling_on_sc=False),
    )


_TCOLS = 16384
_TGRID = -(-_VOCAB // _TCOLS)


def _tr_tc_body(tt_ref, i2_ref, out_ref):
    t = lax.dot_general(
        tt_ref[...], i2_ref[...], (((0,), (0,)), ((), ())),
        preferred_element_type=jnp.float32)
    out_ref[...] = jnp.concatenate([t, t], axis=1)


def _tr_tc(tt, i2):
    return pl.pallas_call(
        _tr_tc_body,
        grid=(_TGRID,),
        in_specs=[pl.BlockSpec((_D, _TCOLS), lambda i: (0, i)),
                  pl.BlockSpec((_D, _D), lambda i: (0, 0))],
        out_specs=pl.BlockSpec((_TCOLS, 2 * _D), lambda i: (i, 0)),
        out_shape=jax.ShapeDtypeStruct((_TGRID * _TCOLS, 2 * _D), jnp.float32),
    )(tt, i2)


def _mlp_body(x_ref, w1_ref, b1_ref, w2_ref, b2_ref, wc_ref, bc_ref, out_ref):
    x = x_ref[...]
    h = jnp.maximum(jnp.dot(x, w1_ref[...],
                            preferred_element_type=jnp.float32) + b1_ref[...], 0.0)
    h = jnp.maximum(jnp.dot(h, w2_ref[...],
                            preferred_element_type=jnp.float32) + b2_ref[...], 0.0)
    z = jnp.dot(h, wc_ref[...], preferred_element_type=jnp.float32) + bc_ref[...]
    out_ref[...] = 1.0 / (1.0 + jnp.exp(-z))


def _mlp(x, w1, b1, w2, b2, wc, bc):
    return pl.pallas_call(
        _mlp_body,
        out_shape=jax.ShapeDtypeStruct((_B, _PAD_T), jnp.float32),
    )(x, w1, b1, w2, b2, wc, bc)


def kernel(inputs, table, W1, b1, W2, b2, Wc, bc):
    idx2 = inputs.reshape(-1).astype(jnp.int32) * 2
    eye = jnp.eye(_D, dtype=jnp.float32)
    lin = _tr_tc(table.T, eye).reshape(2 * _TGRID * _TCOLS, _D)
    pooled = _get_pool()(idx2, lin)
    wc_p = jnp.pad(Wc, ((0, 0), (0, _PAD_T - _TOPICS)))
    bc_p = jnp.pad(bc, (0, _PAD_T - _TOPICS))
    out = _mlp(pooled, W1, b1.reshape(1, -1), W2, b2.reshape(1, -1),
               wc_p, bc_p.reshape(1, -1))
    return out[:, :_TOPICS]

# --- scband reference (transcript-rebuilt; emitter-appended) ---
"""Pipeline reference for scband-wiki-classifier-23725399343665 (READ-ONLY COPY).

The authoritative reference and input builder live on the scoring server;
editing this copy changes nothing except your own understanding.
"""

import jax, jax.numpy as jnp
import numpy as np

VOCAB = 1000000
MAX_SIZE = 200
BATCH = 4096
EMBED_DIM = 64
TOPICS = 50
HIDDEN = 128


def setup_inputs(seed: int = 0) -> dict:
    key = jax.random.key(seed)
    ks = jax.random.split(key, 8)
    inputs = jax.random.randint(ks[0], (BATCH, MAX_SIZE), 0, VOCAB, dtype=jnp.int64 if jax.config.jax_enable_x64 else jnp.int32)
    table = jax.random.normal(ks[1], (VOCAB, EMBED_DIM), dtype=jnp.float32) * 0.02
    W1 = jax.random.normal(ks[2], (EMBED_DIM, HIDDEN), dtype=jnp.float32) * 0.05
    b1 = jnp.zeros((HIDDEN,), dtype=jnp.float32)
    W2 = jax.random.normal(ks[3], (HIDDEN, EMBED_DIM), dtype=jnp.float32) * 0.05
    b2 = jnp.zeros((EMBED_DIM,), dtype=jnp.float32)
    Wc = jax.random.normal(ks[4], (EMBED_DIM, TOPICS), dtype=jnp.float32) * 0.05
    bc = jnp.zeros((TOPICS,), dtype=jnp.float32)
    return {"inputs": inputs, "table": table, "W1": W1, "b1": b1, "W2": W2, "b2": b2, "Wc": Wc, "bc": bc}


def reference(inputs, table, W1, b1, W2, b2, Wc, bc):
    # Embedding lookup: [B, L] -> [B, L, D]
    x = jnp.take(table, inputs, axis=0)
    # GlobalAveragePooling1D over the sequence axis
    x = jnp.mean(x, axis=1)
    # Dense(128, relu)
    x = jax.nn.relu(x @ W1 + b1)
    # Dropout is identity at inference (training=False)
    # Dense(embedding_dim, relu)
    x = jax.nn.relu(x @ W2 + b2)
    # Classifier: Dense(topics_size, sigmoid)
    out = jax.nn.sigmoid(x @ Wc + bc)
    return out

if __name__ == "__main__":
    import jax
    _d = setup_inputs()
    print(jax.jit(kernel)(*tuple(_d.values())))

</pallas_src>

<mosaic_0001>
#map = affine_map<(d0, d1) -> (0)>
#map1 = affine_map<(d0, d1) -> (0, 0)>
module attributes {stable_mosaic.version = 14 : i64} {
  func.func @_pool_body(%arg0: i32, %arg1: i32, %arg2: memref<819200xi32, #tpu.memory_space<hbm>>, %arg3: memref<2031616x64xf32, #tpu.memory_space<hbm>>, %arg4: memref<4096x64xf32, #tpu.memory_space<hbm>>, %arg5: memref<25600xi32, #tpu.memory_space<vmem>>, %arg6: memref<200x64xf32, #tpu.memory_space<vmem>>, %arg7: memref<200x64xf32, #tpu.memory_space<vmem>>, %arg8: memref<128x64xf32, #tpu.memory_space<vmem>>, %arg9: memref<!tpu.dma_semaphore, #tpu.memory_space<semaphore_mem>>, %arg10: memref<!tpu.dma_semaphore, #tpu.memory_space<semaphore_mem>>) attributes {dimension_semantics = [#tpu.dimension_semantics<core_parallel>, #tpu.dimension_semantics<subcore_parallel>], iteration_bounds = array<i64: 2, 16>, scalar_prefetch = 0 : i64, scratch_operands = 6 : i64, tpu.core_type = #tpu.core_type<sc_vector_subcore>, window_params = [{transform_indices = #map}, {transform_indices = #map1}, {transform_indices = #map1}]} {
    %mul3A = arith.constant 2 : i32
    %mul3A_0 = arith.muli %arg1, %mul3A : i32
    %add3A = arith.addi %mul3A_0, %arg0 : i32
    %mul3A_1 = arith.constant 128 : i32
    %mul3A_2 = arith.muli %add3A, %mul3A_1 : i32
    %mul3A_3 = arith.constant 200 : i32
    %mul3A_4 = arith.muli %mul3A_2, %mul3A_3 : i32
    "tpu.region"() ({
      %run_scoped3A = tpu.sem_alloc : memref<!tpu.dma_semaphore, #tpu.memory_space<semaphore_mem>>
      %dma_start3A_27 = tpu.memref_slice %arg2[%mul3A_4] : memref<819200xi32, #tpu.memory_space<hbm>> -> memref<25600xi32, #tpu.memory_space<hbm>>
      %dma_start3A_28 = tpu.memref_slice %arg2[%mul3A_4] : memref<819200xi32, #tpu.memory_space<hbm>> -> memref<25600xi32, #tpu.memory_space<hbm>>
      tpu.enqueue_dma source(%dma_start3A_28 : memref<25600xi32, #tpu.memory_space<hbm>>) target(%arg5 : memref<25600xi32, #tpu.memory_space<vmem>>) target_semaphore(%run_scoped3A : memref<!tpu.dma_semaphore, #tpu.memory_space<semaphore_mem>>)
      %dma_wait3A = tpu.memref_slice %arg2[%mul3A_4] : memref<819200xi32, #tpu.memory_space<hbm>> -> memref<25600xi32, #tpu.memory_space<hbm>>
      %dma_wait3A_29 = tpu.memref_slice %arg2[%mul3A_4] : memref<819200xi32, #tpu.memory_space<hbm>> -> memref<25600xi32, #tpu.memory_space<hbm>>
      tpu.wait_dma2 semaphore(%run_scoped3A : memref<!tpu.dma_semaphore, #tpu.memory_space<semaphore_mem>>) src(%dma_wait3A_29 : memref<25600xi32, #tpu.memory_space<hbm>>) dst(%arg5 : memref<25600xi32, #tpu.memory_space<vmem>>)
      tpu.yield
    }) : () -> ()
    %multiple_of3A = arith.constant 0 : i32
    %multiple_of3A_5 = tpu.assume_multiple %multiple_of3A, 8 : i32
    %add3A_6 = arith.constant 128 : i32
    %add3A_7 = arith.addi %multiple_of3A_5, %add3A_6 : i32
    %dma_start3A = arith.constant 0 : i32
    %dma_start3A_8 = arith.constant 0 : i32
    %dma_start3A_9 = tpu.memref_slice %arg6[%dma_start3A, %dma_start3A_8] : memref<200x64xf32, #tpu.memory_space<vmem>> -> memref<128x64xf32, #tpu.memory_space<vmem>>
    %dma_start3A_10 = tpu.memref_slice %arg5[%multiple_of3A_5] : memref<25600xi32, #tpu.memory_space<vmem>> -> memref<128xi32, #tpu.memory_space<vmem>>
    %dma_start3A_11 = arith.constant 0 : i32
    %dma_start3A_12 = arith.constant 0 : i32
    %dma_start3A_13 = tpu.memref_slice %arg3[%dma_start3A_11, %dma_start3A_12] : memref<2031616x64xf32, #tpu.memory_space<hbm>> -> memref<2031616x64xf32, #tpu.memory_space<hbm>>
    tpu.enqueue_indirect_dma source(%dma_start3A_13 : memref<2031616x64xf32, #tpu.memory_space<hbm>>) target(%dma_start3A_9 : memref<128x64xf32, #tpu.memory_space<vmem>>) offsets(%dma_start3A_10 : memref<128xi32, #tpu.memory_space<vmem>>) semaphore(%arg9 : memref<!tpu.dma_semaphore, #tpu.memory_space<semaphore_mem>>)
    %dma_start3A_14 = arith.constant 128 : i32
    %dma_start3A_15 = arith.constant 0 : i32
    %dma_start3A_16 = tpu.memref_slice %arg6[%dma_start3A_14, %dma_start3A_15] : memref<200x64xf32, #tpu.memory_space<vmem>> -> memref<72x64xf32, #tpu.memory_space<vmem>>
    %dma_start3A_17 = tpu.memref_slice %arg5[%add3A_7] : memref<25600xi32, #tpu.memory_space<vmem>> -> memref<72xi32, #tpu.memory_space<vmem>>
    %dma_start3A_18 = arith.constant 0 : i32
    %dma_start3A_19 = arith.constant 0 : i32
    %dma_start3A_20 = tpu.memref_slice %arg3[%dma_start3A_18, %dma_start3A_19] : memref<2031616x64xf32, #tpu.memory_space<hbm>> -> memref<2031616x64xf32, #tpu.memory_space<hbm>>
    tpu.enqueue_indirect_dma source(%dma_start3A_20 : memref<2031616x64xf32, #tpu.memory_space<hbm>>) target(%dma_start3A_16 : memref<72x64xf32, #tpu.memory_space<vmem>>) offsets(%dma_start3A_17 : memref<72xi32, #tpu.memory_space<vmem>>) semaphore(%arg9 : memref<!tpu.dma_semaphore, #tpu.memory_space<semaphore_mem>>)
    %scan3A = arith.constant 0 : i32
    %scan3A_21 = arith.constant 0 : i32
    %scan3A_22 = arith.constant 64 : i32
    %scan3A_23 = arith.addi %scan3A_21, %scan3A_22 : i32
    %scan3A_24 = arith.constant 1 : i32
    %scan3A_25 = scf.for %scan3A_27 = %scan3A_21 to %scan3A_23 step %scan3A_24 iter_args(%scan3A_28 = %scan3A) -> (i32)  : i32 {
      %mul3A_29 = arith.constant 2 : i32
      %mul3A_30 = arith.muli %scan3A_27, %mul3A_29 : i32
      %add3A_31 = arith.constant 1 : i32
      %add3A_32 = arith.addi %mul3A_30, %add3A_31 : i32
      %mul3A_33 = arith.constant 200 : i32
      %mul3A_34 = arith.muli %add3A_32, %mul3A_33 : i32
      %multiple_of3A_35 = tpu.assume_multiple %mul3A_34, 8 : i32
      %add3A_36 = arith.constant 128 : i32
      %add3A_37 = arith.addi %multiple_of3A_35, %add3A_36 : i32
      %dma_start3A_38 = arith.constant 0 : i32
      %dma_start3A_39 = arith.constant 0 : i32
      %dma_start3A_40 = tpu.memref_slice %arg7[%dma_start3A_38, %dma_start3A_39] : memref<200x64xf32, #tpu.memory_space<vmem>> -> memref<128x64xf32, #tpu.memory_space<vmem>>
      %dma_start3A_41 = tpu.memref_slice %arg5[%multiple_of3A_35] : memref<25600xi32, #tpu.memory_space<vmem>> -> memref<128xi32, #tpu.memory_space<vmem>>
      %dma_start3A_42 = arith.constant 0 : i32
      %dma_start3A_43 = arith.constant 0 : i32
      %dma_start3A_44 = tpu.memref_slice %arg3[%dma_start3A_42, %dma_start3A_43] : memref<2031616x64xf32, #tpu.memory_space<hbm>> -> memref<2031616x64xf32, #tpu.memory_space<hbm>>
      tpu.enqueue_indirect_dma source(%dma_start3A_44 : memref<2031616x64xf32, #tpu.memory_space<hbm>>) target(%dma_start3A_40 : memref<128x64xf32, #tpu.memory_space<vmem>>) offsets(%dma_start3A_41 : memref<128xi32, #tpu.memory_space<vmem>>) semaphore(%arg10 : memref<!tpu.dma_semaphore, #tpu.memory_space<semaphore_mem>>)
      %dma_start3A_45 = arith.constant 128 : i32
      %dma_start3A_46 = arith.constant 0 : i32
      %dma_start3A_47 = tpu.memref_slice %arg7[%dma_start3A_45, %dma_start3A_46] : memref<200x64xf32, #tpu.memory_space<vmem>> -> memref<72x64xf32, #tpu.memory_space<vmem>>
      %dma_start3A_48 = tpu.memref_slice %arg5[%add3A_37] : memref<25600xi32, #tpu.memory_space<vmem>> -> memref<72xi32, #tpu.memory_space<vmem>>
      %dma_start3A_49 = arith.constant 0 : i32
      %dma_start3A_50 = arith.constant 0 : i32
      %dma_start3A_51 = tpu.memref_slice %arg3[%dma_start3A_49, %dma_start3A_50] : memref<2031616x64xf32, #tpu.memory_space<hbm>> -> memref<2031616x64xf32, #tpu.memory_space<hbm>>
      tpu.enqueue_indirect_dma source(%dma_start3A_51 : memref<2031616x64xf32, #tpu.memory_space<hbm>>) target(%dma_start3A_47 : memref<72x64xf32, #tpu.memory_space<vmem>>) offsets(%dma_start3A_48 : memref<72xi32, #tpu.memory_space<vmem>>) semaphore(%arg10 : memref<!tpu.dma_semaphore, #tpu.memory_space<semaphore_mem>>)
      %dma_wait3A = arith.constant 0 : i32
      %dma_wait3A_52 = arith.constant 0 : i32
      %dma_wait3A_53 = tpu.memref_slice %arg6[%dma_wait3A, %dma_wait3A_52] : memref<200x64xf32, #tpu.memory_space<vmem>> -> memref<128x64xf32, #tpu.memory_space<vmem>>
      %dma_wait3A_54 = arith.constant 0 : i32
      %dma_wait3A_55 = tpu.memref_slice %arg5[%dma_wait3A_54] : memref<25600xi32, #tpu.memory_space<vmem>> -> memref<128xi32, #tpu.memory_space<vmem>>
      %dma_wait3A_56 = arith.constant 0 : i32
      %dma_wait3A_57 = arith.constant 0 : i32
      %dma_wait3A_58 = tpu.memref_slice %arg3[%dma_wait3A_56, %dma_wait3A_57] : memref<2031616x64xf32, #tpu.memory_space<hbm>> -> memref<2031616x64xf32, #tpu.memory_space<hbm>>
      tpu.wait_indirect_dma semaphore(%arg9 : memref<!tpu.dma_semaphore, #tpu.memory_space<semaphore_mem>>) src(%dma_wait3A_58 : memref<2031616x64xf32, #tpu.memory_space<hbm>>) dst(%dma_wait3A_53 : memref<128x64xf32, #tpu.memory_space<vmem>>)
      %dma_wait3A_59 = arith.constant 128 : i32
      %dma_wait3A_60 = arith.constant 0 : i32
      %dma_wait3A_61 = tpu.memref_slice %arg6[%dma_wait3A_59, %dma_wait3A_60] : memref<200x64xf32, #tpu.memory_space<vmem>> -> memref<72x64xf32, #tpu.memory_space<vmem>>
      %dma_wait3A_62 = arith.constant 0 : i32
      %dma_wait3A_63 = tpu.memref_slice %arg5[%dma_wait3A_62] : memref<25600xi32, #tpu.memory_space<vmem>> -> memref<72xi32, #tpu.memory_space<vmem>>
      %dma_wait3A_64 = arith.constant 0 : i32
      %dma_wait3A_65 = arith.constant 0 : i32
      %dma_wait3A_66 = tpu.memref_slice %arg3[%dma_wait3A_64, %dma_wait3A_65] : memref<2031616x64xf32, #tpu.memory_space<hbm>> -> memref<2031616x64xf32, #tpu.memory_space<hbm>>
      tpu.wait_indirect_dma semaphore(%arg9 : memref<!tpu.dma_semaphore, #tpu.memory_space<semaphore_mem>>) src(%dma_wait3A_66 : memref<2031616x64xf32, #tpu.memory_space<hbm>>) dst(%dma_wait3A_61 : memref<72x64xf32, #tpu.memory_space<vmem>>)
      %broadcast_in_dim3A = arith.constant 0.000000e+00 : f32
      %broadcast_in_dim3A_67 = vector.broadcast %broadcast_in_dim3A : f32 to vector<16xf32>
      %broadcast_in_dim3A_68 = arith.constant 0.000000e+00 : f32
      %broadcast_in_dim3A_69 = vector.broadcast %broadcast_in_dim3A_68 : f32 to vector<16xf32>
      %broadcast_in_dim3A_70 = arith.constant 0.000000e+00 : f32
      %broadcast_in_dim3A_71 = vector.broadcast %broadcast_in_dim3A_70 : f32 to vector<16xf32>
      %broadcast_in_dim3A_72 = arith.constant 0.000000e+00 : f32
      %broadcast_in_dim3A_73 = vector.broadcast %broadcast_in_dim3A_72 : f32 to vector<16xf32>
      %scan3A_74 = arith.constant 0 : i32
      %scan3A_75 = arith.constant 200 : i32
      %scan3A_76 = arith.addi %scan3A_74, %scan3A_75 : i32
      %scan3A_77 = arith.constant 1 : i32
      %scan3A_78:4 = scf.for %scan3A_180 = %scan3A_74 to %scan3A_76 step %scan3A_77 iter_args(%scan3A_181 = %broadcast_in_dim3A_67, %scan3A_182 = %broadcast_in_dim3A_69, %scan3A_183 = %broadcast_in_dim3A_71, %scan3A_184 = %broadcast_in_dim3A_73) -> (vector<16xf32>, vector<16xf32>, vector<16xf32>, vector<16xf32>)  : i32 {
        %get3A = arith.index_cast %scan3A_180 : i32 to index
        %get3A_185 = arith.constant 0 : index
        %get3A_186 = tpu.vector_load %arg6[%get3A, %get3A_185] {strides = array<i32>} : memref<200x64xf32, #tpu.memory_space<vmem>>, vector<1x16xf32>,
        %get3A_187 = vector.shape_cast %get3A_186 : vector<1x16xf32> to vector<16xf32>
        %add3A_188 = arith.addf %scan3A_181, %get3A_187 : vector<16xf32>
        %get3A_189 = arith.index_cast %scan3A_180 : i32 to index
        %get3A_190 = arith.constant 16 : index
        %get3A_191 = tpu.vector_load %arg6[%get3A_189, %get3A_190] {strides = array<i32>} : memref<200x64xf32, #tpu.memory_space<vmem>>, vector<1x16xf32>,
        %get3A_192 = vector.shape_cast %get3A_191 : vector<1x16xf32> to vector<16xf32>
        %add3A_193 = arith.addf %scan3A_182, %get3A_192 : vector<16xf32>
        %get3A_194 = arith.index_cast %scan3A_180 : i32 to index
        %get3A_195 = arith.constant 32 : index
        %get3A_196 = tpu.vector_load %arg6[%get3A_194, %get3A_195] {strides = array<i32>} : memref<200x64xf32, #tpu.memory_space<vmem>>, vector<1x16xf32>,
        %get3A_197 = vector.shape_cast %get3A_196 : vector<1x16xf32> to vector<16xf32>
        %add3A_198 = arith.addf %scan3A_183, %get3A_197 : vector<16xf32>
        %get3A_199 = arith.index_cast %scan3A_180 : i32 to index
        %get3A_200 = arith.constant 48 : index
        %get3A_201 = tpu.vector_load %arg6[%get3A_199, %get3A_200] {strides = array<i32>} : memref<200x64xf32, #tpu.memory_space<vmem>>, vector<1x16xf32>,
        %get3A_202 = vector.shape_cast %get3A_201 : vector<1x16xf32> to vector<16xf32>
        %add3A_203 = arith.addf %scan3A_184, %get3A_202 : vector<16xf32>
        scf.yield %add3A_188, %add3A_193, %add3A_198, %add3A_203 : vector<16xf32>, vector<16xf32>, vector<16xf32>, vector<16xf32>
      }
      %scan3A_79 = arith.constant 200 : i32
      %mul3A_80 = arith.constant 5.000000e-03 : f32
      %mul3A_81 = vector.broadcast %mul3A_80 : f32 to vector<16xf32>
      %mul3A_82 = arith.mulf %scan3A_78#0, %mul3A_81 : vector<16xf32>
      %swap3A = arith.index_cast %mul3A_30 : i32 to index
      %swap3A_83 = arith.constant 0 : index
      %swap3A_84 = tpu.vector_load %arg8[%swap3A, %swap3A_83] {strides = array<i32>} : memref<128x64xf32, #tpu.memory_space<vmem>>, vector<1x16xf32>,
      %swap3A_85 = vector.shape_cast %swap3A_84 : vector<1x16xf32> to vector<16xf32>
      %swap3A_86 = vector.shape_cast %mul3A_82 : vector<16xf32> to vector<1x16xf32>
      tpu.vector_store %arg8[%swap3A, %swap3A_83], %swap3A_86 {strides = array<i32>} : memref<128x64xf32, #tpu.memory_space<vmem>>, vector<1x16xf32>,
      %mul3A_87 = arith.constant 5.000000e-03 : f32
      %mul3A_88 = vector.broadcast %mul3A_87 : f32 to vector<16xf32>
      %mul3A_89 = arith.mulf %scan3A_78#1, %mul3A_88 : vector<16xf32>
      %swap3A_90 = arith.index_cast %mul3A_30 : i32 to index
      %swap3A_91 = arith.constant 16 : index
      %swap3A_92 = tpu.vector_load %arg8[%swap3A_90, %swap3A_91] {strides = array<i32>} : memref<128x64xf32, #tpu.memory_space<vmem>>, vector<1x16xf32>,
      %swap3A_93 = vector.shape_cast %swap3A_92 : vector<1x16xf32> to vector<16xf32>
      %swap3A_94 = vector.shape_cast %mul3A_89 : vector<16xf32> to vector<1x16xf32>
      tpu.vector_store %arg8[%swap3A_90, %swap3A_91], %swap3A_94 {strides = array<i32>} : memref<128x64xf32, #tpu.memory_space<vmem>>, vector<1x16xf32>,
      %mul3A_95 = arith.constant 5.000000e-03 : f32
      %mul3A_96 = vector.broadcast %mul3A_95 : f32 to vector<16xf32>
      %mul3A_97 = arith.mulf %scan3A_78#2, %mul3A_96 : vector<16xf32>
      %swap3A_98 = arith.index_cast %mul3A_30 : i32 to index
      %swap3A_99 = arith.constant 32 : index
      %swap3A_100 = tpu.vector_load %arg8[%swap3A_98, %swap3A_99] {strides = array<i32>} : memref<128x64xf32, #tpu.memory_space<vmem>>, vector<1x16xf32>,
      %swap3A_101 = vector.shape_cast %swap3A_100 : vector<1x16xf32> to vector<16xf32>
      %swap3A_102 = vector.shape_cast %mul3A_97 : vector<16xf32> to vector<1x16xf32>
      tpu.vector_store %arg8[%swap3A_98, %swap3A_99], %swap3A_102 {strides = array<i32>} : memref<128x64xf32, #tpu.memory_space<vmem>>, vector<1x16xf32>,
      %mul3A_103 = arith.constant 5.000000e-03 : f32
      %mul3A_104 = vector.broadcast %mul3A_103 : f32 to vector<16xf32>
      %mul3A_105 = arith.mulf %scan3A_78#3, %mul3A_104 : vector<16xf32>
      %swap3A_106 = arith.index_cast %mul3A_30 : i32 to index
      %swap3A_107 = arith.constant 48 : index
      %swap3A_108 = tpu.vector_load %arg8[%swap3A_106, %swap3A_107] {strides = array<i32>} : memref<128x64xf32, #tpu.memory_space<vmem>>, vector<1x16xf32>,
      %swap3A_109 = vector.shape_cast %swap3A_108 : vector<1x16xf32> to vector<16xf32>
      %swap3A_110 = vector.shape_cast %mul3A_105 : vector<16xf32> to vector<1x16xf32>
      tpu.vector_store %arg8[%swap3A_106, %swap3A_107], %swap3A_110 {strides = array<i32>} : memref<128x64xf32, #tpu.memory_space<vmem>>, vector<1x16xf32>,
      %add3A_111 = arith.constant 2 : i32
      %add3A_112 = arith.addi %mul3A_30, %add3A_111 : i32
      %lt3A = arith.constant 128 : i32
      %lt3A_113 = arith.cmpi slt, %add3A_112, %lt3A : i32
      %convert_element_type3A = arith.extui %lt3A_113 : i1 to i32
      %cond3A = arith.constant 0 : i32
      %cond3A_114 = arith.cmpi ne, %convert_element_type3A, %cond3A : i32
      scf.if %cond3A_114 {
        %add3A_180 = arith.constant 2 : i32
        %add3A_181 = arith.addi %mul3A_30, %add3A_180 : i32
        %mul3A_182 = arith.constant 200 : i32
        %mul3A_183 = arith.muli %add3A_181, %mul3A_182 : i32
        %multiple_of3A_184 = tpu.assume_multiple %mul3A_183, 8 : i32
        %add3A_185 = arith.constant 128 : i32
        %add3A_186 = arith.addi %multiple_of3A_184, %add3A_185 : i32
        %dma_start3A_187 = arith.constant 0 : i32
        %dma_start3A_188 = arith.constant 0 : i32
        %dma_start3A_189 = tpu.memref_slice %arg6[%dma_start3A_187, %dma_start3A_188] : memref<200x64xf32, #tpu.memory_space<vmem>> -> memref<128x64xf32, #tpu.memory_space<vmem>>
        %dma_start3A_190 = tpu.memref_slice %arg5[%multiple_of3A_184] : memref<25600xi32, #tpu.memory_space<vmem>> -> memref<128xi32, #tpu.memory_space<vmem>>
        %dma_start3A_191 = arith.constant 0 : i32
        %dma_start3A_192 = arith.constant 0 : i32
        %dma_start3A_193 = tpu.memref_slice %arg3[%dma_start3A_191, %dma_start3A_192] : memref<2031616x64xf32, #tpu.memory_space<hbm>> -> memref<2031616x64xf32, #tpu.memory_space<hbm>>
        tpu.enqueue_indirect_dma source(%dma_start3A_193 : memref<2031616x64xf32, #tpu.memory_space<hbm>>) target(%dma_start3A_189 : memref<128x64xf32, #tpu.memory_space<vmem>>) offsets(%dma_start3A_190 : memref<128xi32, #tpu.memory_space<vmem>>) semaphore(%arg9 : memref<!tpu.dma_semaphore, #tpu.memory_space<semaphore_mem>>)
        %dma_start3A_194 = arith.constant 128 : i32
        %dma_start3A_195 = arith.constant 0 : i32
        %dma_start3A_196 = tpu.memref_slice %arg6[%dma_start3A_194, %dma_start3A_195] : memref<200x64xf32, #tpu.memory_space<vmem>> -> memref<72x64xf32, #tpu.memory_space<vmem>>
        %dma_start3A_197 = tpu.memref_slice %arg5[%add3A_186] : memref<25600xi32, #tpu.memory_space<vmem>> -> memref<72xi32, #tpu.memory_space<vmem>>
        %dma_start3A_198 = arith.constant 0 : i32
        %dma_start3A_199 = arith.constant 0 : i32
        %dma_start3A_200 = tpu.memref_slice %arg3[%dma_start3A_198, %dma_start3A_199] : memref<2031616x64xf32, #tpu.memory_space<hbm>> -> memref<2031616x64xf32, #tpu.memory_space<hbm>>
        tpu.enqueue_indirect_dma source(%dma_start3A_200 : memref<2031616x64xf32, #tpu.memory_space<hbm>>) target(%dma_start3A_196 : memref<72x64xf32, #tpu.memory_space<vmem>>) offsets(%dma_start3A_197 : memref<72xi32, #tpu.memory_space<vmem>>) semaphore(%arg9 : memref<!tpu.dma_semaphore, #tpu.memory_space<semaphore_mem>>)
      } else {
      }
      %dma_wait3A_115 = arith.constant 0 : i32
      %dma_wait3A_116 = arith.constant 0 : i32
      %dma_wait3A_117 = tpu.memref_slice %arg7[%dma_wait3A_115, %dma_wait3A_116] : memref<200x64xf32, #tpu.memory_space<vmem>> -> memref<128x64xf32, #tpu.memory_space<vmem>>
      %dma_wait3A_118 = arith.constant 0 : i32
      %dma_wait3A_119 = tpu.memref_slice %arg5[%dma_wait3A_118] : memref<25600xi32, #tpu.memory_space<vmem>> -> memref<128xi32, #tpu.memory_space<vmem>>
      %dma_wait3A_120 = arith.constant 0 : i32
      %dma_wait3A_121 = arith.constant 0 : i32
      %dma_wait3A_122 = tpu.memref_slice %arg3[%dma_wait3A_120, %dma_wait3A_121] : memref<2031616x64xf32, #tpu.memory_space<hbm>> -> memref<2031616x64xf32, #tpu.memory_space<hbm>>
      tpu.wait_indirect_dma semaphore(%arg10 : memref<!tpu.dma_semaphore, #tpu.memory_space<semaphore_mem>>) src(%dma_wait3A_122 : memref<2031616x64xf32, #tpu.memory_space<hbm>>) dst(%dma_wait3A_117 : memref<128x64xf32, #tpu.memory_space<vmem>>)
      %dma_wait3A_123 = arith.constant 128 : i32
      %dma_wait3A_124 = arith.constant 0 : i32
      %dma_wait3A_125 = tpu.memref_slice %arg7[%dma_wait3A_123, %dma_wait3A_124] : memref<200x64xf32, #tpu.memory_space<vmem>> -> memref<72x64xf32, #tpu.memory_space<vmem>>
      %dma_wait3A_126 = arith.constant 0 : i32
      %dma_wait3A_127 = tpu.memref_slice %arg5[%dma_wait3A_126] : memref<25600xi32, #tpu.memory_space<vmem>> -> memref<72xi32, #tpu.memory_space<vmem>>
      %dma_wait3A_128 = arith.constant 0 : i32
      %dma_wait3A_129 = arith.constant 0 : i32
      %dma_wait3A_130 = tpu.memref_slice %arg3[%dma_wait3A_128, %dma_wait3A_129] : memref<2031616x64xf32, #tpu.memory_space<hbm>> -> memref<2031616x64xf32, #tpu.memory_space<hbm>>
      tpu.wait_indirect_dma semaphore(%arg10 : memref<!tpu.dma_semaphore, #tpu.memory_space<semaphore_mem>>) src(%dma_wait3A_130 : memref<2031616x64xf32, #tpu.memory_space<hbm>>) dst(%dma_wait3A_125 : memref<72x64xf32, #tpu.memory_space<vmem>>)
      %add3A_131 = arith.constant 1 : i32
      %add3A_132 = arith.addi %mul3A_30, %add3A_131 : i32
      %broadcast_in_dim3A_133 = arith.constant 0.000000e+00 : f32
      %broadcast_in_dim3A_134 = vector.broadcast %broadcast_in_dim3A_133 : f32 to vector<16xf32>
      %broadcast_in_dim3A_135 = arith.constant 0.000000e+00 : f32
      %broadcast_in_dim3A_136 = vector.broadcast %broadcast_in_dim3A_135 : f32 to vector<16xf32>
      %broadcast_in_dim3A_137 = arith.constant 0.000000e+00 : f32
      %broadcast_in_dim3A_138 = vector.broadcast %broadcast_in_dim3A_137 : f32 to vector<16xf32>
      %broadcast_in_dim3A_139 = arith.constant 0.000000e+00 : f32
      %broadcast_in_dim3A_140 = vector.broadcast %broadcast_in_dim3A_139 : f32 to vector<16xf32>
      %scan3A_141 = arith.constant 0 : i32
      %scan3A_142 = arith.constant 200 : i32
      %scan3A_143 = arith.addi %scan3A_141, %scan3A_142 : i32
      %scan3A_144 = arith.constant 1 : i32
      %scan3A_145:4 = scf.for %scan3A_180 = %scan3A_141 to %scan3A_143 step %scan3A_144 iter_args(%scan3A_181 = %broadcast_in_dim3A_134, %scan3A_182 = %broadcast_in_dim3A_136, %scan3A_183 = %broadcast_in_dim3A_138, %scan3A_184 = %broadcast_in_dim3A_140) -> (vector<16xf32>, vector<16xf32>, vector<16xf32>, vector<16xf32>)  : i32 {
        %get3A = arith.index_cast %scan3A_180 : i32 to index
        %get3A_185 = arith.constant 0 : index
        %get3A_186 = tpu.vector_load %arg7[%get3A, %get3A_185] {strides = array<i32>} : memref<200x64xf32, #tpu.memory_space<vmem>>, vector<1x16xf32>,
        %get3A_187 = vector.shape_cast %get3A_186 : vector<1x16xf32> to vector<16xf32>
        %add3A_188 = arith.addf %scan3A_181, %get3A_187 : vector<16xf32>
        %get3A_189 = arith.index_cast %scan3A_180 : i32 to index
        %get3A_190 = arith.constant 16 : index
        %get3A_191 = tpu.vector_load %arg7[%get3A_189, %get3A_190] {strides = array<i32>} : memref<200x64xf32, #tpu.memory_space<vmem>>, vector<1x16xf32>,
        %get3A_192 = vector.shape_cast %get3A_191 : vector<1x16xf32> to vector<16xf32>
        %add3A_193 = arith.addf %scan3A_182, %get3A_192 : vector<16xf32>
        %get3A_194 = arith.index_cast %scan3A_180 : i32 to index
        %get3A_195 = arith.constant 32 : index
        %get3A_196 = tpu.vector_load %arg7[%get3A_194, %get3A_195] {strides = array<i32>} : memref<200x64xf32, #tpu.memory_space<vmem>>, vector<1x16xf32>,
        %get3A_197 = vector.shape_cast %get3A_196 : vector<1x16xf32> to vector<16xf32>
        %add3A_198 = arith.addf %scan3A_183, %get3A_197 : vector<16xf32>
        %get3A_199 = arith.index_cast %scan3A_180 : i32 to index
        %get3A_200 = arith.constant 48 : index
        %get3A_201 = tpu.vector_load %arg7[%get3A_199, %get3A_200] {strides = array<i32>} : memref<200x64xf32, #tpu.memory_space<vmem>>, vector<1x16xf32>,
        %get3A_202 = vector.shape_cast %get3A_201 : vector<1x16xf32> to vector<16xf32>
        %add3A_203 = arith.addf %scan3A_184, %get3A_202 : vector<16xf32>
        scf.yield %add3A_188, %add3A_193, %add3A_198, %add3A_203 : vector<16xf32>, vector<16xf32>, vector<16xf32>, vector<16xf32>
      }
      %scan3A_146 = arith.constant 200 : i32
      %mul3A_147 = arith.constant 5.000000e-03 : f32
      %mul3A_148 = vector.broadcast %mul3A_147 : f32 to vector<16xf32>
      %mul3A_149 = arith.mulf %scan3A_145#0, %mul3A_148 : vector<16xf32>
      %swap3A_150 = arith.index_cast %add3A_132 : i32 to index
      %swap3A_151 = arith.constant 0 : index
      %swap3A_152 = tpu.vector_load %arg8[%swap3A_150, %swap3A_151] {strides = array<i32>} : memref<128x64xf32, #tpu.memory_space<vmem>>, vector<1x16xf32>,
      %swap3A_153 = vector.shape_cast %swap3A_152 : vector<1x16xf32> to vector<16xf32>
      %swap3A_154 = vector.shape_cast %mul3A_149 : vector<16xf32> to vector<1x16xf32>
      tpu.vector_store %arg8[%swap3A_150, %swap3A_151], %swap3A_154 {strides = array<i32>} : memref<128x64xf32, #tpu.memory_space<vmem>>, vector<1x16xf32>,
      %mul3A_155 = arith.constant 5.000000e-03 : f32
      %mul3A_156 = vector.broadcast %mul3A_155 : f32 to vector<16xf32>
      %mul3A_157 = arith.mulf %scan3A_145#1, %mul3A_156 : vector<16xf32>
      %swap3A_158 = arith.index_cast %add3A_132 : i32 to index
      %swap3A_159 = arith.constant 16 : index
      %swap3A_160 = tpu.vector_load %arg8[%swap3A_158, %swap3A_159] {strides = array<i32>} : memref<128x64xf32, #tpu.memory_space<vmem>>, vector<1x16xf32>,
      %swap3A_161 = vector.shape_cast %swap3A_160 : vector<1x16xf32> to vector<16xf32>
      %swap3A_162 = vector.shape_cast %mul3A_157 : vector<16xf32> to vector<1x16xf32>
      tpu.vector_store %arg8[%swap3A_158, %swap3A_159], %swap3A_162 {strides = array<i32>} : memref<128x64xf32, #tpu.memory_space<vmem>>, vector<1x16xf32>,
      %mul3A_163 = arith.constant 5.000000e-03 : f32
      %mul3A_164 = vector.broadcast %mul3A_163 : f32 to vector<16xf32>
      %mul3A_165 = arith.mulf %scan3A_145#2, %mul3A_164 : vector<16xf32>
      %swap3A_166 = arith.index_cast %add3A_132 : i32 to index
      %swap3A_167 = arith.constant 32 : index
      %swap3A_168 = tpu.vector_load %arg8[%swap3A_166, %swap3A_167] {strides = array<i32>} : memref<128x64xf32, #tpu.memory_space<vmem>>, vector<1x16xf32>,
      %swap3A_169 = vector.shape_cast %swap3A_168 : vector<1x16xf32> to vector<16xf32>
      %swap3A_170 = vector.shape_cast %mul3A_165 : vector<16xf32> to vector<1x16xf32>
      tpu.vector_store %arg8[%swap3A_166, %swap3A_167], %swap3A_170 {strides = array<i32>} : memref<128x64xf32, #tpu.memory_space<vmem>>, vector<1x16xf32>,
      %mul3A_171 = arith.constant 5.000000e-03 : f32
      %mul3A_172 = vector.broadcast %mul3A_171 : f32 to vector<16xf32>
      %mul3A_173 = arith.mulf %scan3A_145#3, %mul3A_172 : vector<16xf32>
      %swap3A_174 = arith.index_cast %add3A_132 : i32 to index
      %swap3A_175 = arith.constant 48 : index
      %swap3A_176 = tpu.vector_load %arg8[%swap3A_174, %swap3A_175] {strides = array<i32>} : memref<128x64xf32, #tpu.memory_space<vmem>>, vector<1x16xf32>,
      %swap3A_177 = vector.shape_cast %swap3A_176 : vector<1x16xf32> to vector<16xf32>
      %swap3A_178 = vector.shape_cast %mul3A_173 : vector<16xf32> to vector<1x16xf32>
      tpu.vector_store %arg8[%swap3A_174, %swap3A_175], %swap3A_178 {strides = array<i32>} : memref<128x64xf32, #tpu.memory_space<vmem>>, vector<1x16xf32>,
      %scan3A_179 = arith.constant 0 : i32
      scf.yield %scan3A_179 : i32
    }
    %scan3A_26 = arith.constant 64 : i32
    "tpu.region"() ({
      %run_scoped3A = tpu.sem_alloc : memref<!tpu.dma_semaphore, #tpu.memory_space<semaphore_mem>>
      %dma_start3A_27 = arith.constant 0 : i32
      %dma_start3A_28 = tpu.memref_slice %arg4[%mul3A_2, %dma_start3A_27] : memref<4096x64xf32, #tpu.memory_space<hbm>> -> memref<128x64xf32, #tpu.memory_space<hbm>>
      %dma_start3A_29 = arith.constant 0 : i32
      %dma_start3A_30 = tpu.memref_slice %arg4[%mul3A_2, %dma_start3A_29] : memref<4096x64xf32, #tpu.memory_space<hbm>> -> memref<128x64xf32, #tpu.memory_space<hbm>>
      tpu.enqueue_dma source(%arg8 : memref<128x64xf32, #tpu.memory_space<vmem>>) target(%dma_start3A_30 : memref<128x64xf32, #tpu.memory_space<hbm>>) target_semaphore(%run_scoped3A : memref<!tpu.dma_semaphore, #tpu.memory_space<semaphore_mem>>)
      %dma_wait3A = arith.constant 0 : i32
      %dma_wait3A_31 = tpu.memref_slice %arg4[%mul3A_2, %dma_wait3A] : memref<4096x64xf32, #tpu.memory_space<hbm>> -> memref<128x64xf32, #tpu.memory_space<hbm>>
      %dma_wait3A_32 = arith.constant 0 : i32
      %dma_wait3A_33 = tpu.memref_slice %arg4[%mul3A_2, %dma_wait3A_32] : memref<4096x64xf32, #tpu.memory_space<hbm>> -> memref<128x64xf32, #tpu.memory_space<hbm>>
      tpu.wait_dma2 semaphore(%run_scoped3A : memref<!tpu.dma_semaphore, #tpu.memory_space<semaphore_mem>>) src(%arg8 : memref<128x64xf32, #tpu.memory_space<vmem>>) dst(%dma_wait3A_33 : memref<128x64xf32, #tpu.memory_space<hbm>>)
      tpu.yield
    }) : () -> ()
    return
  }
}

module attributes {stable_mosaic.version = 14 : i64} {
  func.func @_tr_tc_body(%arg0: i32, %arg1: memref<64x16384xf32, #tpu.memory_space<vmem>>, %arg2: memref<64x64xf32, #tpu.memory_space<vmem>>, %arg3: memref<16384x128xf32, #tpu.memory_space<vmem>>) attributes {dimension_semantics = [#tpu.dimension_semantics<arbitrary>], iteration_bounds = array<i64: 62>, scalar_prefetch = 0 : i64, scratch_operands = 0 : i64, tpu.core_type = #tpu.core_type<tc>, window_params = [{transform_indices = @transform_0, window_bounds = array<i64: 64, 16384>}, {pipeline_mode = #tpu.pipeline_mode<synchronous>, transform_indices = @transform_1, window_bounds = array<i64: 64, 64>}, {transform_indices = @transform_2, window_bounds = array<i64: 16384, 128>}]} {
    %get3A = arith.constant 0 : index
    %get3A_0 = arith.constant 0 : index
    %get3A_1 = vector.load %arg1[%get3A, %get3A_0] : memref<64x16384xf32, #tpu.memory_space<vmem>>, vector<64x16384xf32>
    %get3A_2 = arith.constant 0 : index
    %get3A_3 = arith.constant 0 : index
    %get3A_4 = vector.load %arg2[%get3A_2, %get3A_3] : memref<64x64xf32, #tpu.memory_space<vmem>>, vector<64x64xf32>
    %dot_general3A = arith.constant dense<0.000000e+00> : vector<16384x64xf32>
    %dot_general3A_5 = tpu.matmul %get3A_1, %get3A_4, %dot_general3A {dimension_numbers = #tpu.dot_dimension_numbers<[0], [0], [1], [1], [0, 1, 1, 1], [], []>, transpose_lhs_hint = false} : vector<64x16384xf32>, vector<64x64xf32>, vector<16384x64xf32> -> vector<16384x64xf32>
    %concatenate3A = tpu.concatenate %dot_general3A_5, %dot_general3A_5 in 1 : vector<16384x64xf32>, vector<16384x64xf32> -> vector<16384x128xf32>
    %swap3A = arith.constant 0 : index
    %swap3A_6 = arith.constant 0 : index
    %swap3A_7 = vector.load %arg3[%swap3A, %swap3A_6] : memref<16384x128xf32, #tpu.memory_space<vmem>>, vector<16384x128xf32>
    tpu.vector_store %arg3[%swap3A, %swap3A_6], %concatenate3A {strides = array<i32>} : memref<16384x128xf32, #tpu.memory_space<vmem>>, vector<16384x128xf32>,
    return
  }
  func.func @transform_0(%arg0: i32) -> (i32, i32) {
    %c0_i32 = arith.constant 0 : i32
    %c0_i32_0 = arith.constant 0 : i32
    return %c0_i32, %arg0 : i32, i32
  }
  func.func @transform_1(%arg0: i32) -> (i32, i32) {
    %c0_i32 = arith.constant 0 : i32
    %c0_i32_0 = arith.constant 0 : i32
    %c0_i32_1 = arith.constant 0 : i32
    return %c0_i32, %c0_i32_0 : i32, i32
  }
  func.func @transform_2(%arg0: i32) -> (i32, i32) {
    %c0_i32 = arith.constant 0 : i32
    %c0_i32_0 = arith.constant 0 : i32
    return %arg0, %c0_i32 : i32, i32
  }
}

module attributes {stable_mosaic.version = 14 : i64} {
  func.func @_mlp_body(%arg0: memref<4096x64xf32, #tpu.memory_space<vmem>>, %arg1: memref<64x128xf32, #tpu.memory_space<vmem>>, %arg2: memref<1x128xf32, #tpu.memory_space<vmem>>, %arg3: memref<128x64xf32, #tpu.memory_space<vmem>>, %arg4: memref<1x64xf32, #tpu.memory_space<vmem>>, %arg5: memref<64x128xf32, #tpu.memory_space<vmem>>, %arg6: memref<1x128xf32, #tpu.memory_space<vmem>>, %arg7: memref<4096x128xf32, #tpu.memory_space<vmem>>) attributes {dimension_semantics = [], scalar_prefetch = 0 : i64, scratch_operands = 0 : i64, tpu.core_type = #tpu.core_type<tc>} {
    %get3A = arith.constant 0 : index
    %get3A_0 = arith.constant 0 : index
    %get3A_1 = vector.load %arg0[%get3A, %get3A_0] : memref<4096x64xf32, #tpu.memory_space<vmem>>, vector<4096x64xf32>
    %get3A_2 = arith.constant 0 : index
    %get3A_3 = arith.constant 0 : index
    %get3A_4 = vector.load %arg1[%get3A_2, %get3A_3] : memref<64x128xf32, #tpu.memory_space<vmem>>, vector<64x128xf32>
    %dot_general3A = arith.constant dense<0.000000e+00> : vector<4096x128xf32>
    %dot_general3A_5 = tpu.matmul %get3A_1, %get3A_4, %dot_general3A {dimension_numbers = #tpu.dot_dimension_numbers<[1], [0], [0], [1], [0, 0, 1, 1], [], []>, transpose_lhs_hint = false} : vector<4096x64xf32>, vector<64x128xf32>, vector<4096x128xf32> -> vector<4096x128xf32>
    %get3A_6 = arith.constant 0 : index
    %get3A_7 = arith.constant 0 : index
    %get3A_8 = vector.load %arg2[%get3A_6, %get3A_7] : memref<1x128xf32, #tpu.memory_space<vmem>>, vector<1x128xf32>
    %add3A = vector.broadcast %get3A_8 : vector<1x128xf32> to vector<4096x128xf32>
    %add3A_9 = arith.addf %dot_general3A_5, %add3A : vector<4096x128xf32>
    %max3A = arith.constant 0.000000e+00 : f32
    %max3A_10 = vector.broadcast %max3A : f32 to vector<4096x128xf32>
    %max3A_11 = arith.maximumf %add3A_9, %max3A_10 : vector<4096x128xf32>
    %get3A_12 = arith.constant 0 : index
    %get3A_13 = arith.constant 0 : index
    %get3A_14 = vector.load %arg3[%get3A_12, %get3A_13] : memref<128x64xf32, #tpu.memory_space<vmem>>, vector<128x64xf32>
    %dot_general3A_15 = arith.constant dense<0.000000e+00> : vector<4096x64xf32>
    %dot_general3A_16 = tpu.matmul %max3A_11, %get3A_14, %dot_general3A_15 {dimension_numbers = #tpu.dot_dimension_numbers<[1], [0], [0], [1], [0, 0, 1, 1], [], []>, transpose_lhs_hint = false} : vector<4096x128xf32>, vector<128x64xf32>, vector<4096x64xf32> -> vector<4096x64xf32>
    %get3A_17 = arith.constant 0 : index
    %get3A_18 = arith.constant 0 : index
    %get3A_19 = vector.load %arg4[%get3A_17, %get3A_18] : memref<1x64xf32, #tpu.memory_space<vmem>>, vector<1x64xf32>
    %add3A_20 = vector.broadcast %get3A_19 : vector<1x64xf32> to vector<4096x64xf32>
    %add3A_21 = arith.addf %dot_general3A_16, %add3A_20 : vector<4096x64xf32>
    %max3A_22 = arith.constant 0.000000e+00 : f32
    %max3A_23 = vector.broadcast %max3A_22 : f32 to vector<4096x64xf32>
    %max3A_24 = arith.maximumf %add3A_21, %max3A_23 : vector<4096x64xf32>
    %get3A_25 = arith.constant 0 : index
    %get3A_26 = arith.constant 0 : index
    %get3A_27 = vector.load %arg5[%get3A_25, %get3A_26] : memref<64x128xf32, #tpu.memory_space<vmem>>, vector<64x128xf32>
    %dot_general3A_28 = arith.constant dense<0.000000e+00> : vector<4096x128xf32>
    %dot_general3A_29 = tpu.matmul %max3A_24, %get3A_27, %dot_general3A_28 {dimension_numbers = #tpu.dot_dimension_numbers<[1], [0], [0], [1], [0, 0, 1, 1], [], []>, transpose_lhs_hint = false} : vector<4096x64xf32>, vector<64x128xf32>, vector<4096x128xf32> -> vector<4096x128xf32>
    %get3A_30 = arith.constant 0 : index
    %get3A_31 = arith.constant 0 : index
    %get3A_32 = vector.load %arg6[%get3A_30, %get3A_31] : memref<1x128xf32, #tpu.memory_space<vmem>>, vector<1x128xf32>
    %add3A_33 = vector.broadcast %get3A_32 : vector<1x128xf32> to vector<4096x128xf32>
    %add3A_34 = arith.addf %dot_general3A_29, %add3A_33 : vector<4096x128xf32>
    %neg3A = arith.constant 0.000000e+00 : f32
    %neg3A_35 = vector.broadcast %neg3A : f32 to vector<4096x128xf32>
    %neg3A_36 = arith.subf %neg3A_35, %add3A_34 : vector<4096x128xf32>
    %exp3A = math.exp %neg3A_36 : vector<4096x128xf32>
    %add3A_37 = arith.constant 1.000000e+00 : f32
    %add3A_38 = vector.broadcast %add3A_37 : f32 to vector<4096x128xf32>
    %add3A_39 = arith.addf %add3A_38, %exp3A : vector<4096x128xf32>
    %div3A = arith.constant 1.000000e+00 : f32
    %div3A_40 = vector.broadcast %div3A : f32 to vector<4096x128xf32>
    %div3A_41 = arith.divf %div3A_40, %add3A_39 : vector<4096x128xf32>
    %swap3A = arith.constant 0 : index
    %swap3A_42 = arith.constant 0 : index
    %swap3A_43 = vector.load %arg7[%swap3A, %swap3A_42] : memref<4096x128xf32, #tpu.memory_space<vmem>>, vector<4096x128xf32>
    tpu.vector_store %arg7[%swap3A, %swap3A_42], %div3A_41 {strides = array<i32>} : memref<4096x128xf32, #tpu.memory_space<vmem>>, vector<4096x128xf32>,
    return
  }
}

</mosaic_0001>

<sc_bundles>
// kernel: kernel.5.cloned.1.call-start
scs
__scs_entry_jumppad:
0x0: {  	(pc) =	sbr.rel $0x88, $3  }
0x1: {  	(tag) =	ssettag $0x0;
	lr =	simm.s32 $0x1  }
0x2: {  	[smem:$0x3F99] =	sst lr;
	_ =	strace $0xD0000000  }
0x3: {  	_ = 	snop  }
0x4: {  	_ = 	snop  }
0x5: {  	_ = 	snop  }
0x6: {  	_ = 	snop  }
0x7: {  	_ = 	snop  }
__scs_overlays_trampoline_lowered:
0x8: {  	[smem:$0x3FA8] =	sst s0  }
0x9: {  	[smem:$0x3FA9] =	sst s1  }
0xa: {  	[smem:$0x3FAA] =	sst s2  }
0xb: {  	[smem:$0x3FAB] =	sst s3  }
0xc: {  	[smem:$0x3FAC] =	sst s4  }
0xd: {  	[smem:$0x3FAD] =	sst s5  }
0xe: {  	[smem:$0x3FAE] =	sst s6  }
0xf: {  	[smem:$0x3FAF] =	sst s7  }
0x10: {  	[smem:$0x3FB0] =	sst s8  }
0x11: {  	[smem:$0x3FB1] =	sst s9;
	s0 =	simm.s32 @!p0 $0x0  }
0x12: {  	s1 =	sld [smem:$0x3F97];
	s0 =	simm.s32 @p0 $0x1  }
0x13: {  	[smem:$0x3FB2] =	sst s0;
	s0 =	simm.s32 @!p1 $0x0  }
0x14: {  	s2 =	sld [smem:$0x3F96];
	s0 =	simm.s32 @p1 $0x1  }
0x15: {  	[smem:$0x3FB3] =	sst s0;
	s0 =	simm.s32 @!p2 $0x0  }
0x16: {  	s3 =	sld [smem:$0x3FDB];
	s0 =	simm.s32 @p2 $0x1  }
0x17: {  	s4 =	simm.s32 $0x1BF5;
	[smem:$0x3FB5] =	sst s0  }
0x18: {  	s0 =	sld [smem:$0x3F98];
	_ =	swait.ge [sflag:s4], $0x0  }
0x19: {  	s7 =	sld [smem:$0x3F99]  }
0x1a: {  	s8 =	sadd.s32 $0xFFFFE003, lr  }
0x1b: {  	s9 =	sadd.s32 $0xFFFFFEF7, lr;
	s5 =	simm.s32 $0xFFFFFFFF;
	p2 =	slt.u32 s8, $0xFFFFF086  }
0x1c: {  	p1 =	slt.u32 s9, $0xF7A;
	s5 =	simm.s32 @!p2 $0x0  }
0x1d: {  	s5 =	simm.s32 @p1 $0x1;
	p0 =	seq.s32 s7, s2  }
0x1e: {  	s7 =	smul.u32 @!p0 $0xF7A, s2;
	p2 =	seq.s32 @!p0 s5, $0x0  }
0x1f: {  	s9 =	smul.u32 $0xF7A, s1;
	s8 =	simm.s32 @!p0 $0x1BF5;
	p2 =	por !p2, p0  }
0x20: {  	[sflag:s8] =	ssyncset.s32 @!p0 $0xFFFFF086;
	s6 =	sadd.s32 @!p0 s3, s7;
	s7 =	simm.s32 @!p0 $0x108  }
0x21: {  	s3 =	sadd.s32 s3, s9;
	s6 =	sadd.s32 @!p0 $0x88, s6;
	s7 =	simm.s32 @p2 $0x1082  }
0x22: {  	[simem:s7], [sflag:s8] =	dma.local @!p0 [hbm:s6], $0xF7A  }
0x23: {  	s9 =	sor.u32 $0xD0000000, s2;
	s6 =	simm.s32 $0x108;
	_ =	swait.ge @!p0 [sflag:s8], $0x0  }
0x24: {  	s3 =	sadd.s32 $0x88, s3;
	s6 =	simm.s32 @!p1 $0x1082;
	[sflag:s4] =	ssyncset.s32 $0xFFFFF086  }
0x25: {  	[simem:s6], [sflag:s4] =	dma.local [hbm:s3], $0xF7A  }
0x26: {  	[smem:$0x3F99] =	sst s1;
	(tag) =	ssettag s2;
	_ =	strace s9  }
0x27: {  	s1 =	sld [smem:$0x3FA9]  }
0x28: {  	s2 =	sld [smem:$0x3FAA]  }
0x29: {  	s4 =	sld [smem:$0x3FAC]  }
0x2a: {  	p0 =	seq.s32 s5, $0x0;
	s5 =	sld [smem:$0x3FAD]  }
0x2b: {  	s6 =	sld [smem:$0x3FAE]  }
0x2c: {  	s7 =	sld [smem:$0x3FAF]  }
0x2d: {  	s3 =	simm.s32 $0x108;
	s8 =	sld [smem:$0x3FB0]  }
0x2e: {  	s3 =	simm.s32 @!p0 $0x1082;
	s9 =	sld [smem:$0x3FB1]  }
0x2f: {  	lr =	sadd.s32 s0, s3;
	s0 =	sld [smem:$0x3FA8]  }
0x30: {  	s3 =	sld [smem:$0x3FAB]  }
0x31: {  	[smem:$0x3FB4] =	sst s10  }
0x32: {  	s10 =	sld [smem:$0x3FB2];
	_ =	sdelay $0x3  }
0x33: {  	p0 =	seq.s32 s10, $0x1;
	s10 =	sld [smem:$0x3FB4];
	_ =	sdelay $0x3  }
0x34: {  	[smem:$0x3FB4] =	sst s10  }
0x35: {  	s10 =	sld [smem:$0x3FB3];
	_ =	sdelay $0x3  }
0x36: {  	p1 =	seq.s32 s10, $0x1;
	s10 =	sld [smem:$0x3FB4];
	_ =	sdelay $0x3  }
0x37: {  	[smem:$0x3FB4] =	sst s10  }
0x38: {  	s10 =	sld [smem:$0x3FB5]  }
0x39: {  	_ = 	snop;
	(pc) =	sbr.ind lr, $3  }
0x3a: {  	_ = 	snop  }
0x3b: {  	_ = 	snop  }
0x3c: {  	p2 =	seq.s32 s10, $0x1;
	s10 =	sld [smem:$0x3FB4]  }
0x3d: {  	_ =	shalt  }
0x3e: {  	_ =	shalt  }
0x3f: {  	_ =	shalt  }
0x40: {  	_ =	shalt  }
0x41: {  	_ =	shalt  }
0x42: {  	_ =	shalt  }
0x43: {  	_ =	shalt  }
0x44: {  	_ =	shalt  }
0x45: {  	_ =	shalt  }
0x46: {  	_ =	shalt  }
0x47: {  	_ =	shalt  }
0x48: {  	_ =	shalt  }
0x49: {  	_ =	shalt  }
0x4a: {  	_ =	shalt  }
0x4b: {  	_ =	shalt  }
0x4c: {  	_ =	shalt  }
0x4d: {  	_ =	shalt  }
0x4e: {  	_ =	shalt  }
0x4f: {  	_ =	shalt  }
0x50: {  	_ =	shalt  }
0x51: {  	_ =	shalt  }
0x52: {  	_ =	shalt  }
0x53: {  	_ =	shalt  }
0x54: {  	_ =	shalt  }
0x55: {  	_ =	shalt  }
0x56: {  	_ =	shalt  }
0x57: {  	_ =	shalt  }
0x58: {  	_ =	shalt  }
0x59: {  	_ =	shalt  }
0x5a: {  	_ =	shalt  }
0x5b: {  	_ =	shalt  }
0x5c: {  	_ =	shalt  }
0x5d: {  	_ =	shalt  }
0x5e: {  	_ =	shalt  }
0x5f: {  	_ =	shalt  }
0x60: {  	_ =	shalt  }
0x61: {  	_ =	shalt  }
0x62: {  	_ =	shalt  }
0x63: {  	_ =	shalt  }
0x64: {  	_ =	shalt  }
0x65: {  	_ =	shalt  }
0x66: {  	_ =	shalt  }
0x67: {  	_ =	shalt  }
0x68: {  	_ =	shalt  }
0x69: {  	_ =	shalt  }
0x6a: {  	_ =	shalt  }
0x6b: {  	_ =	shalt  }
0x6c: {  	_ =	shalt  }
0x6d: {  	_ =	shalt  }
0x6e: {  	_ =	shalt  }
0x6f: {  	_ =	shalt  }
0x70: {  	_ =	shalt  }
0x71: {  	_ =	shalt  }
0x72: {  	_ =	shalt  }
0x73: {  	_ =	shalt  }
0x74: {  	_ =	shalt  }
0x75: {  	_ =	shalt  }
0x76: {  	_ =	shalt  }
0x77: {  	_ =	shalt  }
0x78: {  	_ =	shalt  }
0x79: {  	_ =	shalt  }
0x7a: {  	_ =	shalt  }
0x7b: {  	_ =	shalt  }
0x7c: {  	_ =	shalt  }
0x7d: {  	_ =	shalt  }
0x7e: {  	_ =	shalt  }
0x7f: {  	_ =	shalt  }
0x80: {  	_ =	shalt  }
0x81: {  	_ =	shalt  }
0x82: {  	_ =	shalt  }
0x83: {  	_ =	shalt  }
0x84: {  	_ =	shalt  }
0x85: {  	_ =	shalt  }
0x86: {  	_ =	shalt  }
0x87: {  	_ =	shalt  }
.Lfunc_end0:
.L_simem_size_0:
called_computation_lowered:
.L_overlay_start_0:
0x88: {  	s2 =	sld [smem:$0x3FD9]  }
0x89: {  	s3 =	sld [smem:$0x3FFE];
	_ =	sdelay $0x1  }
0x8a: {  	s1 =	srdreg.scid  }
0x8b: {  	s0 =	sand.u32 $0x1, s1  }
0x8c: {  	s16 =	sshll.u32 s0, $0xA;
	s2 =	sadd.s32 s3, s2  }
0x8d: {  	s2 =	sadd.s32 s2, s16  }
0x8e: {  	[smem:$0x3FC0] =	sst s2  }
0x8f: {  	_ = 	snop  }
0x90: {  	(tm) =	ssettm $0x1  }
0x91: {  	s17 =	sld [smem:$0x3FFB];
	_ =	sdelay $0x3  }
0x92: {  	_ =	strace s17  }
0x93: {  	s2 =	sld [smem:$0x3FFC];
	_ =	sdelay $0x3  }
0x94: {  	_ =	strace s2  }
0x95: {  	s2 =	sld [smem:$0x3FFD];
	_ =	sdelay $0x3  }
0x96: {  	_ =	strace s2  }
0x97: {  	_ =	strace $0x8FFFFFFF  }
0x98: {  	s18 =	sld [smem:$0x3FDB];
	_ =	sdelay $0x1  }
0x99: {  	s19 =	simm.s32 $_scs_section_size  }
0x9a: {  	s4 =	simm.s32 $_size__tile_overlayer_lowered;
	s5 =	simm.s32 $_tile_overlayer_lowered  }
0x9b: {  	s22 =	simm.s32 $0x1BFF;
	s21 =	sshll.u32 s5, $0x1;
	s2 =	sadd.s32 s19, s18  }
0x9c: {  	s6 =	simm.s32 $0x0;
	s20 =	sshll.u32 s4, $0x1;
	s4 =	sadd.s32 s21, s2  }
0x9d: {  	[timem:s6], [sflag:s22] =	dma.local [hbm:s4], s20  }
0x9e: {  	_ =	swait.ge [sflag:s22], s20  }
0x9f: {  	s3 =	ssub.s32 $0x0, s20;
	[sflag:s22] =	ssyncset.done $0x0  }
0xa0: {  	[sflag:s22] =	ssyncadd.s32 s3;
	_ =	sdelay $0x1  }
0xa1: {  	s23 =	simm.s32 $0x1B8B  }
0xa2: {  	_ =	swait.ge [sflag:s23], $0x1  }
0xa3: {  	[sflag:s23] =	ssyncset.done $0x0  }
0xa4: {  	s25 =	simm.s32 $0x1B8E;
	s24 =	sld [smem:$0x3FFE];
	[sflag:s23] =	ssyncadd.s32 $0xFFFFFFFF  }
0xa5: {  	s26 =	simm.s32 $execute0_lowered;
	[smem:$0x3FD2] =	sst s25  }
0xa6: {  	s4 =	sshll.u32 s26, $0x1;
	_ =	strace $0x80000046;
	[dreg:$0x1] =	wrdreg $0xFFFFFFFF  }
0xa7: {  	s28 =	simm.s32 $_size_execute0_lowered;
	s2 =	sadd.s32 s2, s4;
	[dreg:$0x0] =	wrdreg $0x0  }
0xa8: {  	s4 =	sshll.u32 s28, $0x1;
	[dreg:$0x2] =	wrdreg s2  }
0xa9: {  	[dreg:$0x3] =	wrdreg s4  }
0xaa: {  	[dreg:$0x4] =	wrdreg $0xC0  }
0xab: {  	_ =	task [dreg:s6], $0x5FFFF  }
0xac: {  	[dreg:$0x1] =	wrdreg $0xFFFFFFFF  }
0xad: {  	[dreg:$0x0] =	wrdreg $0x60  }
0xae: {  	[dreg:$0x2] =	wrdreg s24  }
0xaf: {  	[dreg:$0x3] =	wrdreg $0x9  }
0xb0: {  	_ =	task.clear_ibuf [dreg:s6], $0x4FFFF;
	_ =	strace $0x90000046  }
0xb1: {  	s29 =	simm.s32 $0x9;
	_ =	strace $0x80000048  }
0xb2: {  	_ =	swait.ge [sflag:s29], $0x1  }
0xb3: {  	[sflag:s29] =	ssyncadd.s32 $0xFFFFFFFF  }
0xb4: {  	_ =	strace $0x90000048  }
0xb5: {  	_ =	sfence  }
0xb6: {  	s30 =	sld [smem:$0x0];
	_ =	sdelay $0x2  }
0xb7: {  	s31 =	sshll.u32 s1, $0xD;
	s1 =	sshrl.u32 s1, $0x2  }
0xb8: {  	s3 =	sand.u32 $0x4000, s31;
	s1 =	sadd.s32 s1, s30  }
0xb9: {  	s0 =	sor.u32 s3, s0;
	s1 =	sshll.u32 s1, $0x11  }
0xba: {  	s0 =	sor.u32 s1, s0  }
0xbb: {  	s0 =	sadd.s32 $0x8F2B, s0  }
0xbc: {  	[sflag:s0] =	ssyncadd.remote.s32 $0x1  }
0xbd: {  	_ =	sfence.sel $0xFFFF  }
0xbe: {  	[dreg:$0x0] =	wrdreg $0xFFFFFFFF;
	(pc) =	sbr.abs _section_cstart, $3  }
0xbf: {  	[dreg:$0x1] =	wrdreg $0xFFFFFFFF  }
0xc0: {  	_ =	task.clear_ibuf [dreg:s6], $0x2FFFF;
	_ =	strace $0x9FFFFFFF  }
0xc1: {  	(tm) =	ssettm $0x7FFFFFFF  }
tec
execute0_lowered:
.L_overlay_start_1:
0x0: {  	(tag) =	ssettag $0x1  }
0x1: {  	s1 =	srdreg.scid;
	s0 =	stileid.u32  }
0x2: {  	s4 =	rddreg [dreg:$0x0];
	s2 =	simm.s32 $0x0;
	s8 =	simm.s32 $0x80  }
0x3: {  	s9 =	simm.s32 $0x6400;
	s10 =	simm.s32 $0x48;
	s11 =	simm.s32 $0x8400  }
0x4: {  	s12 =	simm.s32 $0x9600;
	s13 =	simm.s32 $0xB600;
	s14 =	simm.s32 $0x1  }
0x5: {  	s15 =	simm.s32 $0x2;
	s16 =	simm.s32 $0xC800;
	s17 =	simm.s32 $0x0  }
0x6: {  	s3 =	sand.u32 $0x1, s1;
	s5 =	sshll.u32 s0, $0x1;
	[smem:$0x7FF] =	sst s2  }
0x7: {  	s1 =	rddreg [dreg:$0x1];
	s5 =	sor.u32 s3, s5;
	_ =	strace $0x80000047  }
0x8: {  	s7 =	ssub.s32 $0x2, s3;
	s6 =	smul.u32 $0xC80, s5;
	s5 =	sshll.u32 s5, $0xA  }
0x9: {  	s3 =	sadd.s32 $0x1A000, s4;
	s31 =	sshrl.u32 s7, $0x1;
	s5 =	sadd.s32 s5, s4  }
0xa: {  	s7 =	ssub.s32 s7, s31;
	s6 =	sadd.s32 s6, s4;
	s5 =	sadd.s32 $0xF9A000, s5  }
0xb: {  	s4 =	sadd.s32 $0x1000, s6;
	s6 =	smax.u32 s7, $0x1;
	s7 =	simm.s32 $0x3  }
.LBB2_1:
0xc: {  	[tilespmem:s2], [sflag:$0x3] =	stream.linear.gather [hbm4b:s4+s2], $0x6400, $0x38;
	[tilespmem:$0xE800] =	vst v63  }
0xd: {  	_ =	swait.ge [sflag:s7], $0x6400  }
0xe: {  	[sflag:s7] =	ssyncset.done $0x0  }
0xf: {  	[sflag:s7] =	ssyncadd.s32 $0xFFFF9C00  }
0x10: {  	[tilespmem:s9], [sflag:$0x1] =	stream.indirect.gather [hbm4b:s3+s8], $0x40, s2, s8, $0xb8;
	[tilespmem:$0xE800] =	vst v63  }
0x11: {  	s18 =	simm.s32 $0x0  }
0x12: {  	[tilespmem:s11], [sflag:$0x1] =	stream.indirect.gather [hbm4b:s3+s10], $0x40, s8, s10, $0xb8;
	[tilespmem:$0xE800] =	vst v63  }
.LBB2_2:
0x13: {  	s19 =	sshllo.u32 s18, $0x1  }
0x14: {  	s20 =	smul.u32 $0x320, s19;
	_ =	sdelay $0x1  }
0x15: {  	s20 =	sshra.s32 s20, $0x2  }
0x16: {  	[tilespmem:s12], [sflag:$0x2] =	stream.indirect.gather [hbm4b:s3+s8], $0x40, s20, s8, $0xb8;
	[tilespmem:$0xE800] =	vst v63  }
0x17: {  	s20 =	sadd.s32 $0x80, s20  }
0x18: {  	[tilespmem:s13], [sflag:$0x2] =	stream.indirect.gather [hbm4b:s3+s10], $0x40, s20, s10, $0xb8;
	[tilespmem:$0xE800] =	vst v63  }
0x19: {  	_ =	swait.ge [sflag:s14], $0x2000  }
0x1a: {  	[sflag:s14] =	ssyncset.done $0x0  }
0x1b: {  	[sflag:s14] =	ssyncadd.s32 $0xFFFFE000  }
0x1c: {  	_ =	swait.ge [sflag:s14], $0x1200  }
0x1d: {  	[sflag:s14] =	ssyncset.done $0x0  }
0x1e: {  	s21 =	simm.s32 $0x0;
	[sflag:s14] =	ssyncadd.s32 $0xFFFFEE00  }
0x1f: {  	v1 =	vld [tilespmem:s21+$0x6430]  }
0x20: {  	v2 =	vld [tilespmem:s21+$0x6400]  }
0x21: {  	v0 =	vimm.f32 $0.0e+00;
	v3 =	vld [tilespmem:s21+$0x6410]  }
0x22: {  	v5 =	vimm.f32 $0.0e+00;
	v6 =	vimm.f32 $0.0e+00;
	v7 =	vimm.f32 $0.0e+00;
	s20 =	simm.s32 $0x100;
	v4 =	vld [tilespmem:s21+$0x6420]  }
.LBB2_3:
0x23: {  	p0 =	sne.s32 s20, $0xC700  }
.Ltmp0:
0x24: {  	s21 =	sshra.s32 s20, $0x2;
	s20 =	sadd.s32 $0x100, s20;
	v0 =	vadd.f32 v1, v0;
	(pc) =	sbr.rel @p0 .LBB2_3-.Ltmp0, $4  }
0x25: {  	v1 =	vld [tilespmem:s21+$0x6430];
	v5 =	vadd.f32 v2, v5  }
0x26: {  	v2 =	vld [tilespmem:s21+$0x6400];
	v6 =	vadd.f32 v3, v6  }
0x27: {  	v3 =	vld [tilespmem:s21+$0x6410];
	v7 =	vadd.f32 v4, v7  }
0x28: {  	v4 =	vld [tilespmem:s21+$0x6420]  }
0x29: {  	_ = 	snop  }
0x2a: {  	v0 =	vadd.f32 v1, v0  }
0x2b: {  	v2 =	vadd.f32 v2, v5  }
0x2c: {  	s20 =	sshll.u32 s18, $0x7;
	v3 =	vadd.f32 v3, v6;
	v0 =	vmul.f32 $4.999999890e-03, v0  }
0x2d: {  	p0 =	seq.s32 s18, $0x3F;
	s20 =	sand.u32 $0x3FFFFF80, s20;
	v4 =	vadd.f32 v4, v7;
	v2 =	vmul.f32 $4.999999890e-03, v2  }
0x2e: {  	s21 =	smul.u32 @!p0 $0x640, s18;
	v1 =	vmul.f32 $4.999999890e-03, v3;
	[tilespmem:s20+$0xC830] =	vst v0  }
0x2f: {  	[tilespmem:s20+$0xC800] =	vst v2;
	v2 =	vmul.f32 $4.999999890e-03, v4  }
0x30: {  	s21 =	sshra.s32 @!p0 s21, $0x2;
	[tilespmem:s20+$0xC810] =	vst v1  }
0x31: {  	s22 =	simm.s32 @!p0 $0x80;
	s23 =	simm.s32 @!p0 $0x6400;
	[tilespmem:s20+$0xC820] =	vst v2;
	s20 =	sadd.s32 @!p0 $0x190, s21  }
0x32: {  	[tilespmem:s23], [sflag:$0x1] =	stream.indirect.gather @!p0 [hbm4b:s3+s22], $0x40, s20, s22, $0xb8;
	[tilespmem:$0xE800] =	vst v63  }
0x33: {  	s20 =	sadd.s32 @!p0 $0x210, s21;
	s21 =	simm.s32 @!p0 $0x48;
	s22 =	simm.s32 @!p0 $0x8400  }
0x34: {  	[tilespmem:s22], [sflag:$0x1] =	stream.indirect.gather @!p0 [hbm4b:s3+s21], $0x40, s20, s21, $0xb8;
	[tilespmem:$0xE800] =	vst v63  }
0x35: {  	_ =	swait.ge [sflag:s15], $0x2000  }
0x36: {  	[sflag:s15] =	ssyncset.done $0x0  }
0x37: {  	[sflag:s15] =	ssyncadd.s32 $0xFFFFE000  }
0x38: {  	_ =	swait.ge [sflag:s15], $0x1200  }
0x39: {  	[sflag:s15] =	ssyncset.done $0x0  }
0x3a: {  	s31 =	simm.s32 $0x0;
	[sflag:s15] =	ssyncadd.s32 $0xFFFFEE00  }
0x3b: {  	v1 =	vld [tilespmem:s31+$0x9630]  }
0x3c: {  	v2 =	vld [tilespmem:s31+$0x9600]  }
0x3d: {  	v5 =	vimm.f32 $0.0e+00;
	v3 =	vld [tilespmem:s31+$0x9610]  }
0x3e: {  	v6 =	vimm.f32 $0.0e+00;
	v7 =	vimm.f32 $0.0e+00;
	v0 =	vimm.f32 $0.0e+00;
	s20 =	simm.s32 $0x100;
	v4 =	vld [tilespmem:s31+$0x9620]  }
.LBB2_5:
0x3f: {  	p0 =	sne.s32 s20, $0xC700  }
.Ltmp1:
0x40: {  	s21 =	sshra.s32 s20, $0x2;
	s20 =	sadd.s32 $0x100, s20;
	v0 =	vadd.f32 v1, v0;
	(pc) =	sbr.rel @p0 .LBB2_5-.Ltmp1, $4  }
0x41: {  	v1 =	vld [tilespmem:s21+$0x9630];
	v5 =	vadd.f32 v2, v5  }
0x42: {  	v2 =	vld [tilespmem:s21+$0x9600];
	v6 =	vadd.f32 v3, v6  }
0x43: {  	v3 =	vld [tilespmem:s21+$0x9610];
	v7 =	vadd.f32 v4, v7  }
0x44: {  	v4 =	vld [tilespmem:s21+$0x9620]  }
0x45: {  	_ = 	snop  }
0x46: {  	v0 =	vadd.f32 v1, v0  }
0x47: {  	s18 =	sadd.s32 $0x1, s18;
	v2 =	vadd.f32 v2, v5  }
0x48: {  	s19 =	sshll.u32 s19, $0x6;
	p0 =	sne.s32 s18, $0x40;
	v3 =	vadd.f32 v3, v6;
	v0 =	vmul.f32 $4.999999890e-03, v0  }
.Ltmp2:
0x49: {  	s19 =	sand.u32 $0x3FFFFFC0, s19;
	v4 =	vadd.f32 v4, v7;
	v2 =	vmul.f32 $4.999999890e-03, v2;
	(pc) =	sbr.rel @p0 .LBB2_2-.Ltmp2, $4  }
0x4a: {  	v62 =	vmul.f32 $4.999999890e-03, v3;
	[tilespmem:s19+$0xC830] =	vst v0  }
0x4b: {  	[tilespmem:s19+$0xC800] =	vst v2;
	v63 =	vmul.f32 $4.999999890e-03, v4  }
0x4c: {  	[tilespmem:s19+$0xC810] =	vst v62  }
0x4d: {  	[tilespmem:s19+$0xC820] =	vst v63  }
0x4e: {  	s17 =	sadd.s32 $0x1, s17  }
0x4f: {  	p0 =	sne.s32 s17, s6  }
.Ltmp3:
0x50: {  	_ = 	snop;
	(pc) =	sbr.rel @p0 .LBB2_1-.Ltmp3, $4  }
0x51: {  	[hbm4b:s5+s2] =	stream.linear.scatter [tilespmem:s16], [sflag:$0x3], $0x2000, $0x38;
	[tilespmem:$0xE800] =	vst v63  }
0x52: {  	_ =	swait.ge [sflag:s7], $0x2000  }
0x53: {  	[sflag:s7] =	ssyncset.done $0x0  }
0x54: {  	[sflag:s7] =	ssyncadd.s32 $0xFFFFE000  }
0x55: {  	_ =	sfence.sel $0x180000  }
0x56: {  	[bflag:$0x0] =	sbarrier.arrive $0xFFFF  }
0x57: {  	p0 =	sne.s32 s0, $0x0;
	_ =	strace $0x90000047  }
0x58: {  	s0 =	sadd.s32 @!p0 $0x100000, s1;
	[bflag:$0x2] =	sbarrier.arrive $0xFFFF  }
0x59: {  	[sflag:s0] =	ssyncadd.tile.s32 @!p0 $0x1;
	_ =	shalt  }
.Lfunc_end2:
_tile_overlayer_lowered:
.L_overlay_start_2:
0x5a: {  	(tag) =	ssettag $0x2  }
0x5b: {  	s0 =	rddreg [dreg:$0x0];
	s2 =	stileid.u32  }
0x5c: {  	s1 =	rddreg [dreg:$0x1];
	p0 =	sne.s32 s2, $0x0  }
0x5d: {  	s3 =	rddreg [dreg:$0x2];
	[bflag:$0x3] =	sbarrier.arrive $0xFFFF;
	s2 =	simm.s32 @!p0 $0x1C03  }
0x5e: {  	[timem:s3], [sflag:s2] =	dma.local @!p0 [hbm:s0], s1  }
0x5f: {  	s0 =	simm.s32 @!p0 $0x3  }
0x60: {  	_ =	swait.ge @!p0 [sflag:s0], s1  }
0x61: {  	s1 =	ssub.s32 @!p0 $0x0, s1;
	[sflag:s0] =	ssyncset.done @!p0 $0x0  }
0x62: {  	[sflag:s0] =	ssyncadd.s32 @!p0 s1  }
0x63: {  	[bflag:$0x3] =	sbarrier.arrive $0xFFFF  }
0x64: {  	_ =	shalt  }

</sc_bundles>
